<compile_context>
chip_gen: v7x
topology: tpu7x:2x2x1
jax: 0.10.2.dev20260603
libtpu: 0.0.44.dev20260713+nightly
codegen_flags: <defaults>
</compile_context>

<pallas_src>
import functools

import jax
import jax.numpy as jnp
from jax import lax
from jax.experimental import pallas as pl
from jax.experimental.pallas import tpu as pltpu
from jax.experimental.pallas import tpu_sc as plsc

_NC = 2
_NS = 16
_NW = _NC * _NS

_CHUNK = 16
_NBUF = 2
_D = 1


@functools.partial(jax.jit, static_argnames=("n_tokens", "hidden"))
def _embed_lookup(ids_flat, table, *, n_tokens, hidden):
    per_w = n_tokens // _NW
    n_chunks = per_w // _CHUNK

    mesh = plsc.VectorSubcoreMesh(core_axis_name="c", subcore_axis_name="s")

    @functools.partial(
        pl.kernel,
        out_type=jax.ShapeDtypeStruct((n_tokens, hidden), jnp.float32),
        mesh=mesh,
        scratch_types=(
            [pltpu.VMEM((per_w,), jnp.int32)]
            + [pltpu.VMEM((_CHUNK, hidden), jnp.float32)] * _NBUF
            + [pltpu.SemaphoreType.DMA] * (2 * _NBUF)
        ),
    )
    def k(table_hbm, idx_hbm, out_hbm, idx_v, *rest):
        bufs = rest[:_NBUF]
        gsems = rest[_NBUF:2 * _NBUF]
        wsems = rest[2 * _NBUF:]

        wid = lax.axis_index("s") * _NC + lax.axis_index("c")
        base = wid * per_w

        pltpu.sync_copy(idx_hbm.at[pl.ds(base, per_w)], idx_v)

        def gather(c, b):
            pltpu.async_copy(
                table_hbm.at[idx_v.at[pl.ds(c * _CHUNK, _CHUNK)]],
                bufs[b], gsems[b])

        def wait_gather(b):
            pltpu.make_async_copy(
                table_hbm.at[idx_v.at[pl.ds(0, _CHUNK)]],
                bufs[b], gsems[b]).wait()

        def writeback(c, b):
            pltpu.async_copy(
                bufs[b], out_hbm.at[pl.ds(base + c * _CHUNK, _CHUNK)],
                wsems[b])

        def wait_writeback(b):
            pltpu.make_async_copy(
                bufs[b], out_hbm.at[pl.ds(base, _CHUNK)], wsems[b]).wait()

        for j in range(_D):
            gather(j, j)

        @pl.loop(0, n_chunks, step=_NBUF)
        def body(i):
            for b in range(_NBUF):
                c = i + b
                fb = (b + _D) % _NBUF

                @pl.when(c + _D < n_chunks)
                def _():
                    @pl.when(c + _D >= _NBUF)
                    def _():
                        wait_writeback(fb)
                    gather(c + _D, fb)

                wait_gather(b)
                writeback(c, b)

        for b in range(_NBUF):
            wait_writeback(b)

    return k(table, ids_flat)


def kernel(input_ids, embed_weight):
    b, s = input_ids.shape
    vocab, hidden = embed_weight.shape
    ids_flat = input_ids.reshape(-1).astype(jnp.int32)
    out = _embed_lookup(ids_flat, embed_weight,
                        n_tokens=b * s, hidden=hidden)
    return out.reshape(b, s, hidden)

# --- scband reference (transcript-rebuilt; emitter-appended) ---
"""Pipeline reference for scband-embed-model-18992345383250 (READ-ONLY COPY).

The authoritative reference and input builder live on the scoring server;
editing this copy changes nothing except your own understanding.
"""

import jax, jax.numpy as jnp
import numpy as np

VOCAB = 32064
HIDDEN = 3072
BATCH = 4
SEQ = 4096

def setup_inputs(seed: int = 0) -> dict:
    key = jax.random.key(seed)
    k_ids, k_w = jax.random.split(key)
    input_ids = jax.random.randint(k_ids, (BATCH, SEQ), 0, VOCAB, dtype=jnp.int64 if jax.config.jax_enable_x64 else jnp.int32)
    embed_weight = jax.random.normal(k_w, (VOCAB, HIDDEN), dtype=jnp.float32) * 0.02
    return {"input_ids": input_ids, "embed_weight": embed_weight}

def reference(input_ids, embed_weight):
    # EmbedModel.forward: inputs_embeds = self.embed_tokens(input_ids)
    # (dropout is defined in __init__ but never applied in forward)
    inputs_embeds = jnp.take(embed_weight, input_ids, axis=0)
    return inputs_embeds

if __name__ == "__main__":
    import jax
    _d = setup_inputs()
    print(jax.jit(kernel)(*tuple(_d.values())))

</pallas_src>

<mosaic_0001>
#map = affine_map<(d0, d1) -> (0, 0)>
#map1 = affine_map<(d0, d1) -> (0)>
module attributes {stable_mosaic.version = 14 : i64} {
  func.func @k(%arg0: i32, %arg1: i32, %arg2: memref<32064x3072xf32, #tpu.memory_space<hbm>>, %arg3: memref<16384xi32, #tpu.memory_space<hbm>>, %arg4: memref<16384x3072xf32, #tpu.memory_space<hbm>>, %arg5: memref<512xi32, #tpu.memory_space<vmem>>, %arg6: memref<16x3072xf32, #tpu.memory_space<vmem>>, %arg7: memref<16x3072xf32, #tpu.memory_space<vmem>>, %arg8: memref<!tpu.dma_semaphore, #tpu.memory_space<semaphore_mem>>, %arg9: memref<!tpu.dma_semaphore, #tpu.memory_space<semaphore_mem>>, %arg10: memref<!tpu.dma_semaphore, #tpu.memory_space<semaphore_mem>>, %arg11: memref<!tpu.dma_semaphore, #tpu.memory_space<semaphore_mem>>) attributes {dimension_semantics = [#tpu.dimension_semantics<core_parallel>, #tpu.dimension_semantics<subcore_parallel>], iteration_bounds = array<i64: 2, 16>, scalar_prefetch = 0 : i64, scratch_operands = 7 : i64, tpu.core_type = #tpu.core_type<sc_vector_subcore>, window_params = [{transform_indices = #map}, {transform_indices = #map1}, {transform_indices = #map}]} {
    %mul3A = arith.constant 2 : i32
    %mul3A_0 = arith.muli %arg1, %mul3A : i32
    %add3A = arith.addi %mul3A_0, %arg0 : i32
    %mul3A_1 = arith.constant 512 : i32
    %mul3A_2 = arith.muli %add3A, %mul3A_1 : i32
    "tpu.region"() ({
      %run_scoped3A = tpu.sem_alloc : memref<!tpu.dma_semaphore, #tpu.memory_space<semaphore_mem>>
      %dma_start3A_18 = tpu.memref_slice %arg3[%mul3A_2] : memref<16384xi32, #tpu.memory_space<hbm>> -> memref<512xi32, #tpu.memory_space<hbm>>
      %dma_start3A_19 = tpu.memref_slice %arg3[%mul3A_2] : memref<16384xi32, #tpu.memory_space<hbm>> -> memref<512xi32, #tpu.memory_space<hbm>>
      tpu.enqueue_dma source(%dma_start3A_19 : memref<512xi32, #tpu.memory_space<hbm>>) target(%arg5 : memref<512xi32, #tpu.memory_space<vmem>>) target_semaphore(%run_scoped3A : memref<!tpu.dma_semaphore, #tpu.memory_space<semaphore_mem>>)
      %dma_wait3A_20 = tpu.memref_slice %arg3[%mul3A_2] : memref<16384xi32, #tpu.memory_space<hbm>> -> memref<512xi32, #tpu.memory_space<hbm>>
      %dma_wait3A_21 = tpu.memref_slice %arg3[%mul3A_2] : memref<16384xi32, #tpu.memory_space<hbm>> -> memref<512xi32, #tpu.memory_space<hbm>>
      tpu.wait_dma2 semaphore(%run_scoped3A : memref<!tpu.dma_semaphore, #tpu.memory_space<semaphore_mem>>) src(%dma_wait3A_21 : memref<512xi32, #tpu.memory_space<hbm>>) dst(%arg5 : memref<512xi32, #tpu.memory_space<vmem>>)
      tpu.yield
    }) : () -> ()
    %dma_start3A = arith.constant 0 : i32
    %dma_start3A_3 = tpu.memref_slice %arg5[%dma_start3A] : memref<512xi32, #tpu.memory_space<vmem>> -> memref<16xi32, #tpu.memory_space<vmem>>
    %dma_start3A_4 = arith.constant 0 : i32
    %dma_start3A_5 = arith.constant 0 : i32
    %dma_start3A_6 = tpu.memref_slice %arg2[%dma_start3A_4, %dma_start3A_5] : memref<32064x3072xf32, #tpu.memory_space<hbm>> -> memref<32064x3072xf32, #tpu.memory_space<hbm>>
    tpu.enqueue_indirect_dma source(%dma_start3A_6 : memref<32064x3072xf32, #tpu.memory_space<hbm>>) target(%arg6 : memref<16x3072xf32, #tpu.memory_space<vmem>>) offsets(%dma_start3A_3 : memref<16xi32, #tpu.memory_space<vmem>>) semaphore(%arg8 : memref<!tpu.dma_semaphore, #tpu.memory_space<semaphore_mem>>)
    %scan3A = arith.constant 0 : i32
    %scan3A_7 = arith.constant 16 : i32
    %scan3A_8 = arith.addi %scan3A, %scan3A_7 : i32
    %scan3A_9 = arith.constant 1 : i32
    scf.for %scan3A_18 = %scan3A to %scan3A_8 step %scan3A_9  : i32 {
      %mul3A_19 = arith.constant 2 : i32
      %mul3A_20 = arith.muli %scan3A_18, %mul3A_19 : i32
      %add3A_21 = arith.constant 0 : i32
      %add3A_22 = arith.addi %add3A_21, %mul3A_20 : i32
      %add3A_23 = arith.constant 0 : i32
      %add3A_24 = arith.addi %add3A_22, %add3A_23 : i32
      %add3A_25 = arith.constant 1 : i32
      %add3A_26 = arith.addi %add3A_24, %add3A_25 : i32
      %lt3A = arith.constant 32 : i32
      %lt3A_27 = arith.cmpi slt, %add3A_26, %lt3A : i32
      %convert_element_type3A = arith.extui %lt3A_27 : i1 to i32
      %cond3A = arith.constant 0 : i32
      %cond3A_28 = arith.cmpi ne, %convert_element_type3A, %cond3A : i32
      scf.if %cond3A_28 {
        %add3A_62 = arith.constant 1 : i32
        %add3A_63 = arith.addi %add3A_24, %add3A_62 : i32
        %ge3A = arith.constant 2 : i32
        %ge3A_64 = arith.cmpi sge, %add3A_63, %ge3A : i32
        %convert_element_type3A_65 = arith.extui %ge3A_64 : i1 to i32
        %cond3A_66 = arith.constant 0 : i32
        %cond3A_67 = arith.cmpi ne, %convert_element_type3A_65, %cond3A_66 : i32
        scf.if %cond3A_67 {
          %dma_wait3A_76 = arith.constant 0 : i32
          %dma_wait3A_77 = tpu.memref_slice %arg4[%mul3A_2, %dma_wait3A_76] : memref<16384x3072xf32, #tpu.memory_space<hbm>> -> memref<16x3072xf32, #tpu.memory_space<hbm>>
          %dma_wait3A_78 = arith.constant 0 : i32
          %dma_wait3A_79 = tpu.memref_slice %arg4[%mul3A_2, %dma_wait3A_78] : memref<16384x3072xf32, #tpu.memory_space<hbm>> -> memref<16x3072xf32, #tpu.memory_space<hbm>>
          tpu.wait_dma2 semaphore(%arg11 : memref<!tpu.dma_semaphore, #tpu.memory_space<semaphore_mem>>) src(%arg7 : memref<16x3072xf32, #tpu.memory_space<vmem>>) dst(%dma_wait3A_79 : memref<16x3072xf32, #tpu.memory_space<hbm>>)
        } else {
        }
        %add3A_68 = arith.constant 1 : i32
        %add3A_69 = arith.addi %add3A_24, %add3A_68 : i32
        %mul3A_70 = arith.constant 16 : i32
        %mul3A_71 = arith.muli %add3A_69, %mul3A_70 : i32
        %dma_start3A_72 = tpu.memref_slice %arg5[%mul3A_71] : memref<512xi32, #tpu.memory_space<vmem>> -> memref<16xi32, #tpu.memory_space<vmem>>
        %dma_start3A_73 = arith.constant 0 : i32
        %dma_start3A_74 = arith.constant 0 : i32
        %dma_start3A_75 = tpu.memref_slice %arg2[%dma_start3A_73, %dma_start3A_74] : memref<32064x3072xf32, #tpu.memory_space<hbm>> -> memref<32064x3072xf32, #tpu.memory_space<hbm>>
        tpu.enqueue_indirect_dma source(%dma_start3A_75 : memref<32064x3072xf32, #tpu.memory_space<hbm>>) target(%arg7 : memref<16x3072xf32, #tpu.memory_space<vmem>>) offsets(%dma_start3A_72 : memref<16xi32, #tpu.memory_space<vmem>>) semaphore(%arg9 : memref<!tpu.dma_semaphore, #tpu.memory_space<semaphore_mem>>)
      } else {
      }
      %dma_wait3A_29 = arith.constant 0 : i32
      %dma_wait3A_30 = tpu.memref_slice %arg5[%dma_wait3A_29] : memref<512xi32, #tpu.memory_space<vmem>> -> memref<16xi32, #tpu.memory_space<vmem>>
      %dma_wait3A_31 = arith.constant 0 : i32
      %dma_wait3A_32 = arith.constant 0 : i32
      %dma_wait3A_33 = tpu.memref_slice %arg2[%dma_wait3A_31, %dma_wait3A_32] : memref<32064x3072xf32, #tpu.memory_space<hbm>> -> memref<32064x3072xf32, #tpu.memory_space<hbm>>
      tpu.wait_indirect_dma semaphore(%arg8 : memref<!tpu.dma_semaphore, #tpu.memory_space<semaphore_mem>>) src(%dma_wait3A_33 : memref<32064x3072xf32, #tpu.memory_space<hbm>>) dst(%arg6 : memref<16x3072xf32, #tpu.memory_space<vmem>>)
      %mul3A_34 = arith.constant 16 : i32
      %mul3A_35 = arith.muli %add3A_24, %mul3A_34 : i32
      %add3A_36 = arith.addi %mul3A_2, %mul3A_35 : i32
      %dma_start3A_37 = arith.constant 0 : i32
      %dma_start3A_38 = tpu.memref_slice %arg4[%add3A_36, %dma_start3A_37] : memref<16384x3072xf32, #tpu.memory_space<hbm>> -> memref<16x3072xf32, #tpu.memory_space<hbm>>
      %dma_start3A_39 = arith.constant 0 : i32
      %dma_start3A_40 = tpu.memref_slice %arg4[%add3A_36, %dma_start3A_39] : memref<16384x3072xf32, #tpu.memory_space<hbm>> -> memref<16x3072xf32, #tpu.memory_space<hbm>>
      tpu.enqueue_dma source(%arg6 : memref<16x3072xf32, #tpu.memory_space<vmem>>) target(%dma_start3A_40 : memref<16x3072xf32, #tpu.memory_space<hbm>>) target_semaphore(%arg10 : memref<!tpu.dma_semaphore, #tpu.memory_space<semaphore_mem>>)
      %add3A_41 = arith.constant 1 : i32
      %add3A_42 = arith.addi %add3A_22, %add3A_41 : i32
      %add3A_43 = arith.constant 1 : i32
      %add3A_44 = arith.addi %add3A_42, %add3A_43 : i32
      %lt3A_45 = arith.constant 32 : i32
      %lt3A_46 = arith.cmpi slt, %add3A_44, %lt3A_45 : i32
      %convert_element_type3A_47 = arith.extui %lt3A_46 : i1 to i32
      %cond3A_48 = arith.constant 0 : i32
      %cond3A_49 = arith.cmpi ne, %convert_element_type3A_47, %cond3A_48 : i32
      scf.if %cond3A_49 {
        %add3A_62 = arith.constant 1 : i32
        %add3A_63 = arith.addi %add3A_42, %add3A_62 : i32
        %ge3A = arith.constant 2 : i32
        %ge3A_64 = arith.cmpi sge, %add3A_63, %ge3A : i32
        %convert_element_type3A_65 = arith.extui %ge3A_64 : i1 to i32
        %cond3A_66 = arith.constant 0 : i32
        %cond3A_67 = arith.cmpi ne, %convert_element_type3A_65, %cond3A_66 : i32
        scf.if %cond3A_67 {
          %dma_wait3A_76 = arith.constant 0 : i32
          %dma_wait3A_77 = tpu.memref_slice %arg4[%mul3A_2, %dma_wait3A_76] : memref<16384x3072xf32, #tpu.memory_space<hbm>> -> memref<16x3072xf32, #tpu.memory_space<hbm>>
          %dma_wait3A_78 = arith.constant 0 : i32
          %dma_wait3A_79 = tpu.memref_slice %arg4[%mul3A_2, %dma_wait3A_78] : memref<16384x3072xf32, #tpu.memory_space<hbm>> -> memref<16x3072xf32, #tpu.memory_space<hbm>>
          tpu.wait_dma2 semaphore(%arg10 : memref<!tpu.dma_semaphore, #tpu.memory_space<semaphore_mem>>) src(%arg6 : memref<16x3072xf32, #tpu.memory_space<vmem>>) dst(%dma_wait3A_79 : memref<16x3072xf32, #tpu.memory_space<hbm>>)
        } else {
        }
        %add3A_68 = arith.constant 1 : i32
        %add3A_69 = arith.addi %add3A_42, %add3A_68 : i32
        %mul3A_70 = arith.constant 16 : i32
        %mul3A_71 = arith.muli %add3A_69, %mul3A_70 : i32
        %dma_start3A_72 = tpu.memref_slice %arg5[%mul3A_71] : memref<512xi32, #tpu.memory_space<vmem>> -> memref<16xi32, #tpu.memory_space<vmem>>
        %dma_start3A_73 = arith.constant 0 : i32
        %dma_start3A_74 = arith.constant 0 : i32
        %dma_start3A_75 = tpu.memref_slice %arg2[%dma_start3A_73, %dma_start3A_74] : memref<32064x3072xf32, #tpu.memory_space<hbm>> -> memref<32064x3072xf32, #tpu.memory_space<hbm>>
        tpu.enqueue_indirect_dma source(%dma_start3A_75 : memref<32064x3072xf32, #tpu.memory_space<hbm>>) target(%arg6 : memref<16x3072xf32, #tpu.memory_space<vmem>>) offsets(%dma_start3A_72 : memref<16xi32, #tpu.memory_space<vmem>>) semaphore(%arg8 : memref<!tpu.dma_semaphore, #tpu.memory_space<semaphore_mem>>)
      } else {
      }
      %dma_wait3A_50 = arith.constant 0 : i32
      %dma_wait3A_51 = tpu.memref_slice %arg5[%dma_wait3A_50] : memref<512xi32, #tpu.memory_space<vmem>> -> memref<16xi32, #tpu.memory_space<vmem>>
      %dma_wait3A_52 = arith.constant 0 : i32
      %dma_wait3A_53 = arith.constant 0 : i32
      %dma_wait3A_54 = tpu.memref_slice %arg2[%dma_wait3A_52, %dma_wait3A_53] : memref<32064x3072xf32, #tpu.memory_space<hbm>> -> memref<32064x3072xf32, #tpu.memory_space<hbm>>
      tpu.wait_indirect_dma semaphore(%arg9 : memref<!tpu.dma_semaphore, #tpu.memory_space<semaphore_mem>>) src(%dma_wait3A_54 : memref<32064x3072xf32, #tpu.memory_space<hbm>>) dst(%arg7 : memref<16x3072xf32, #tpu.memory_space<vmem>>)
      %mul3A_55 = arith.constant 16 : i32
      %mul3A_56 = arith.muli %add3A_42, %mul3A_55 : i32
      %add3A_57 = arith.addi %mul3A_2, %mul3A_56 : i32
      %dma_start3A_58 = arith.constant 0 : i32
      %dma_start3A_59 = tpu.memref_slice %arg4[%add3A_57, %dma_start3A_58] : memref<16384x3072xf32, #tpu.memory_space<hbm>> -> memref<16x3072xf32, #tpu.memory_space<hbm>>
      %dma_start3A_60 = arith.constant 0 : i32
      %dma_start3A_61 = tpu.memref_slice %arg4[%add3A_57, %dma_start3A_60] : memref<16384x3072xf32, #tpu.memory_space<hbm>> -> memref<16x3072xf32, #tpu.memory_space<hbm>>
      tpu.enqueue_dma source(%arg7 : memref<16x3072xf32, #tpu.memory_space<vmem>>) target(%dma_start3A_61 : memref<16x3072xf32, #tpu.memory_space<hbm>>) target_semaphore(%arg11 : memref<!tpu.dma_semaphore, #tpu.memory_space<semaphore_mem>>)
    }
    %scan3A_10 = arith.constant 16 : i32
    %dma_wait3A = arith.constant 0 : i32
    %dma_wait3A_11 = tpu.memref_slice %arg4[%mul3A_2, %dma_wait3A] : memref<16384x3072xf32, #tpu.memory_space<hbm>> -> memref<16x3072xf32, #tpu.memory_space<hbm>>
    %dma_wait3A_12 = arith.constant 0 : i32
    %dma_wait3A_13 = tpu.memref_slice %arg4[%mul3A_2, %dma_wait3A_12] : memref<16384x3072xf32, #tpu.memory_space<hbm>> -> memref<16x3072xf32, #tpu.memory_space<hbm>>
    tpu.wait_dma2 semaphore(%arg10 : memref<!tpu.dma_semaphore, #tpu.memory_space<semaphore_mem>>) src(%arg6 : memref<16x3072xf32, #tpu.memory_space<vmem>>) dst(%dma_wait3A_13 : memref<16x3072xf32, #tpu.memory_space<hbm>>)
    %dma_wait3A_14 = arith.constant 0 : i32
    %dma_wait3A_15 = tpu.memref_slice %arg4[%mul3A_2, %dma_wait3A_14] : memref<16384x3072xf32, #tpu.memory_space<hbm>> -> memref<16x3072xf32, #tpu.memory_space<hbm>>
    %dma_wait3A_16 = arith.constant 0 : i32
    %dma_wait3A_17 = tpu.memref_slice %arg4[%mul3A_2, %dma_wait3A_16] : memref<16384x3072xf32, #tpu.memory_space<hbm>> -> memref<16x3072xf32, #tpu.memory_space<hbm>>
    tpu.wait_dma2 semaphore(%arg11 : memref<!tpu.dma_semaphore, #tpu.memory_space<semaphore_mem>>) src(%arg7 : memref<16x3072xf32, #tpu.memory_space<vmem>>) dst(%dma_wait3A_17 : memref<16x3072xf32, #tpu.memory_space<hbm>>)
    return
  }
}

</mosaic_0001>

<sc_bundles>
// kernel: _embed_lookup.3.cloned.1.call-start
scs
__scs_entry_jumppad:
0x0: {  	(pc) =	sbr.rel $0x88, $3  }
0x1: {  	(tag) =	ssettag $0x0;
	lr =	simm.s32 $0x1  }
0x2: {  	[smem:$0x3F9F] =	sst lr;
	_ =	strace $0xD0000000  }
0x3: {  	_ = 	snop  }
0x4: {  	_ = 	snop  }
0x5: {  	_ = 	snop  }
0x6: {  	_ = 	snop  }
0x7: {  	_ = 	snop  }
__scs_overlays_trampoline_lowered:
0x8: {  	[smem:$0x3FAE] =	sst s0  }
0x9: {  	[smem:$0x3FAF] =	sst s1  }
0xa: {  	[smem:$0x3FB0] =	sst s2  }
0xb: {  	[smem:$0x3FB1] =	sst s3  }
0xc: {  	[smem:$0x3FB2] =	sst s4  }
0xd: {  	[smem:$0x3FB3] =	sst s5  }
0xe: {  	[smem:$0x3FB4] =	sst s6  }
0xf: {  	[smem:$0x3FB5] =	sst s7  }
0x10: {  	[smem:$0x3FB6] =	sst s8  }
0x11: {  	[smem:$0x3FB7] =	sst s9;
	s0 =	simm.s32 @!p0 $0x0  }
0x12: {  	s1 =	sld [smem:$0x3F9D];
	s0 =	simm.s32 @p0 $0x1  }
0x13: {  	[smem:$0x3FB8] =	sst s0;
	s0 =	simm.s32 @!p1 $0x0  }
0x14: {  	s2 =	sld [smem:$0x3F9C];
	s0 =	simm.s32 @p1 $0x1  }
0x15: {  	[smem:$0x3FB9] =	sst s0;
	s0 =	simm.s32 @!p2 $0x0  }
0x16: {  	s3 =	sld [smem:$0x3FDB];
	s0 =	simm.s32 @p2 $0x1  }
0x17: {  	s4 =	simm.s32 $0x1BF5;
	[smem:$0x3FBB] =	sst s0  }
0x18: {  	s0 =	sld [smem:$0x3F9E];
	_ =	swait.ge [sflag:s4], $0x0  }
0x19: {  	s7 =	sld [smem:$0x3F9F]  }
0x1a: {  	s8 =	sadd.s32 $0xFFFFE003, lr  }
0x1b: {  	s9 =	sadd.s32 $0xFFFFFEF7, lr;
	s5 =	simm.s32 $0xFFFFFFFF;
	p2 =	slt.u32 s8, $0xFFFFF086  }
0x1c: {  	p1 =	slt.u32 s9, $0xF7A;
	s5 =	simm.s32 @!p2 $0x0  }
0x1d: {  	s5 =	simm.s32 @p1 $0x1;
	p0 =	seq.s32 s7, s2  }
0x1e: {  	s7 =	smul.u32 @!p0 $0xF7A, s2;
	p2 =	seq.s32 @!p0 s5, $0x0  }
0x1f: {  	s9 =	smul.u32 $0xF7A, s1;
	s8 =	simm.s32 @!p0 $0x1BF5;
	p2 =	por !p2, p0  }
0x20: {  	[sflag:s8] =	ssyncset.s32 @!p0 $0xFFFFF086;
	s6 =	sadd.s32 @!p0 s3, s7;
	s7 =	simm.s32 @!p0 $0x108  }
0x21: {  	s3 =	sadd.s32 s3, s9;
	s6 =	sadd.s32 @!p0 $0x88, s6;
	s7 =	simm.s32 @p2 $0x1082  }
0x22: {  	[simem:s7], [sflag:s8] =	dma.local @!p0 [hbm:s6], $0xF7A  }
0x23: {  	s9 =	sor.u32 $0xD0000000, s2;
	s6 =	simm.s32 $0x108;
	_ =	swait.ge @!p0 [sflag:s8], $0x0  }
0x24: {  	s3 =	sadd.s32 $0x88, s3;
	s6 =	simm.s32 @!p1 $0x1082;
	[sflag:s4] =	ssyncset.s32 $0xFFFFF086  }
0x25: {  	[simem:s6], [sflag:s4] =	dma.local [hbm:s3], $0xF7A  }
0x26: {  	[smem:$0x3F9F] =	sst s1;
	(tag) =	ssettag s2;
	_ =	strace s9  }
0x27: {  	s1 =	sld [smem:$0x3FAF]  }
0x28: {  	s2 =	sld [smem:$0x3FB0]  }
0x29: {  	s4 =	sld [smem:$0x3FB2]  }
0x2a: {  	p0 =	seq.s32 s5, $0x0;
	s5 =	sld [smem:$0x3FB3]  }
0x2b: {  	s6 =	sld [smem:$0x3FB4]  }
0x2c: {  	s7 =	sld [smem:$0x3FB5]  }
0x2d: {  	s3 =	simm.s32 $0x108;
	s8 =	sld [smem:$0x3FB6]  }
0x2e: {  	s3 =	simm.s32 @!p0 $0x1082;
	s9 =	sld [smem:$0x3FB7]  }
0x2f: {  	lr =	sadd.s32 s0, s3;
	s0 =	sld [smem:$0x3FAE]  }
0x30: {  	s3 =	sld [smem:$0x3FB1]  }
0x31: {  	[smem:$0x3FBA] =	sst s10  }
0x32: {  	s10 =	sld [smem:$0x3FB8];
	_ =	sdelay $0x3  }
0x33: {  	p0 =	seq.s32 s10, $0x1;
	s10 =	sld [smem:$0x3FBA];
	_ =	sdelay $0x3  }
0x34: {  	[smem:$0x3FBA] =	sst s10  }
0x35: {  	s10 =	sld [smem:$0x3FB9];
	_ =	sdelay $0x3  }
0x36: {  	p1 =	seq.s32 s10, $0x1;
	s10 =	sld [smem:$0x3FBA];
	_ =	sdelay $0x3  }
0x37: {  	[smem:$0x3FBA] =	sst s10  }
0x38: {  	s10 =	sld [smem:$0x3FBB]  }
0x39: {  	_ = 	snop;
	(pc) =	sbr.ind lr, $3  }
0x3a: {  	_ = 	snop  }
0x3b: {  	_ = 	snop  }
0x3c: {  	p2 =	seq.s32 s10, $0x1;
	s10 =	sld [smem:$0x3FBA]  }
0x3d: {  	_ =	shalt  }
0x3e: {  	_ =	shalt  }
0x3f: {  	_ =	shalt  }
0x40: {  	_ =	shalt  }
0x41: {  	_ =	shalt  }
0x42: {  	_ =	shalt  }
0x43: {  	_ =	shalt  }
0x44: {  	_ =	shalt  }
0x45: {  	_ =	shalt  }
0x46: {  	_ =	shalt  }
0x47: {  	_ =	shalt  }
0x48: {  	_ =	shalt  }
0x49: {  	_ =	shalt  }
0x4a: {  	_ =	shalt  }
0x4b: {  	_ =	shalt  }
0x4c: {  	_ =	shalt  }
0x4d: {  	_ =	shalt  }
0x4e: {  	_ =	shalt  }
0x4f: {  	_ =	shalt  }
0x50: {  	_ =	shalt  }
0x51: {  	_ =	shalt  }
0x52: {  	_ =	shalt  }
0x53: {  	_ =	shalt  }
0x54: {  	_ =	shalt  }
0x55: {  	_ =	shalt  }
0x56: {  	_ =	shalt  }
0x57: {  	_ =	shalt  }
0x58: {  	_ =	shalt  }
0x59: {  	_ =	shalt  }
0x5a: {  	_ =	shalt  }
0x5b: {  	_ =	shalt  }
0x5c: {  	_ =	shalt  }
0x5d: {  	_ =	shalt  }
0x5e: {  	_ =	shalt  }
0x5f: {  	_ =	shalt  }
0x60: {  	_ =	shalt  }
0x61: {  	_ =	shalt  }
0x62: {  	_ =	shalt  }
0x63: {  	_ =	shalt  }
0x64: {  	_ =	shalt  }
0x65: {  	_ =	shalt  }
0x66: {  	_ =	shalt  }
0x67: {  	_ =	shalt  }
0x68: {  	_ =	shalt  }
0x69: {  	_ =	shalt  }
0x6a: {  	_ =	shalt  }
0x6b: {  	_ =	shalt  }
0x6c: {  	_ =	shalt  }
0x6d: {  	_ =	shalt  }
0x6e: {  	_ =	shalt  }
0x6f: {  	_ =	shalt  }
0x70: {  	_ =	shalt  }
0x71: {  	_ =	shalt  }
0x72: {  	_ =	shalt  }
0x73: {  	_ =	shalt  }
0x74: {  	_ =	shalt  }
0x75: {  	_ =	shalt  }
0x76: {  	_ =	shalt  }
0x77: {  	_ =	shalt  }
0x78: {  	_ =	shalt  }
0x79: {  	_ =	shalt  }
0x7a: {  	_ =	shalt  }
0x7b: {  	_ =	shalt  }
0x7c: {  	_ =	shalt  }
0x7d: {  	_ =	shalt  }
0x7e: {  	_ =	shalt  }
0x7f: {  	_ =	shalt  }
0x80: {  	_ =	shalt  }
0x81: {  	_ =	shalt  }
0x82: {  	_ =	shalt  }
0x83: {  	_ =	shalt  }
0x84: {  	_ =	shalt  }
0x85: {  	_ =	shalt  }
0x86: {  	_ =	shalt  }
0x87: {  	_ =	shalt  }
.Lfunc_end0:
.L_simem_size_0:
called_computation_lowered:
.L_overlay_start_0:
0x88: {  	s2 =	sld [smem:$0x3FD9]  }
0x89: {  	s3 =	sld [smem:$0x3FFE];
	_ =	sdelay $0x1  }
0x8a: {  	s1 =	srdreg.scid  }
0x8b: {  	s0 =	sand.u32 $0x1, s1  }
0x8c: {  	s18 =	sshll.u32 s0, $0xA;
	s2 =	sadd.s32 s3, s2  }
0x8d: {  	s2 =	sadd.s32 s2, s18  }
0x8e: {  	[smem:$0x3FC6] =	sst s2  }
0x8f: {  	_ = 	snop  }
0x90: {  	s2 =	sld [smem:$0x3FC9]  }
0x91: {  	s19 =	sld [smem:$0x3FC8]  }
0x92: {  	s4 =	sld [smem:$0x3FD0];
	(tm) =	ssettm $0x1  }
0x93: {  	s5 =	sld [smem:$0x3FFB];
	_ =	sdelay $0x3  }
0x94: {  	_ =	strace s5  }
0x95: {  	s5 =	sld [smem:$0x3FFC];
	_ =	sdelay $0x3  }
0x96: {  	_ =	strace s5  }
0x97: {  	s5 =	sld [smem:$0x3FFD];
	_ =	sdelay $0x3  }
0x98: {  	_ =	strace s5  }
0x99: {  	_ =	strace $0x8FFFFFFF  }
0x9a: {  	s20 =	sld [smem:$0x3FDB];
	_ =	sdelay $0x1  }
0x9b: {  	s6 =	simm.s32 $_scs_section_size  }
0x9c: {  	s7 =	simm.s32 $_size__tile_overlayer_lowered;
	s8 =	simm.s32 $_tile_overlayer_lowered  }
0x9d: {  	s23 =	simm.s32 $0x1BFF;
	s22 =	sshll.u32 s8, $0x1;
	s5 =	sadd.s32 s6, s20  }
0x9e: {  	s9 =	simm.s32 $0x0;
	s21 =	sshll.u32 s7, $0x1;
	s7 =	sadd.s32 s22, s5  }
0x9f: {  	[timem:s9], [sflag:s23] =	dma.local [hbm:s7], s21  }
0xa0: {  	_ =	swait.ge [sflag:s23], s21  }
0xa1: {  	s6 =	ssub.s32 $0x0, s21;
	[sflag:s23] =	ssyncset.done $0x0  }
0xa2: {  	[sflag:s23] =	ssyncadd.s32 s6;
	_ =	sdelay $0x1  }
0xa3: {  	s24 =	simm.s32 $0x1B8B  }
0xa4: {  	_ =	swait.ge [sflag:s24], $0x1  }
0xa5: {  	[sflag:s24] =	ssyncset.done $0x0  }
0xa6: {  	s25 =	simm.s32 $0x1B8E;
	[sflag:s24] =	ssyncadd.s32 $0xFFFFFFFF  }
0xa7: {  	s26 =	simm.s32 $execute0_lowered;
	[smem:$0x3FD2] =	sst s25  }
0xa8: {  	s6 =	sshll.u32 s26, $0x1;
	_ =	strace $0x80000046;
	[dreg:$0x1] =	wrdreg $0xFFFFFFFF  }
0xa9: {  	s28 =	simm.s32 $_size_execute0_lowered;
	s5 =	sadd.s32 s5, s6;
	[dreg:$0x0] =	wrdreg $0x0  }
0xaa: {  	s6 =	sshll.u32 s28, $0x1;
	[dreg:$0x2] =	wrdreg s5  }
0xab: {  	[dreg:$0x3] =	wrdreg s6  }
0xac: {  	[dreg:$0x4] =	wrdreg $0xC0  }
0xad: {  	_ =	task [dreg:s9], $0x5FFFF  }
0xae: {  	[dreg:$0x1] =	wrdreg $0xFFFFFFFF  }
0xaf: {  	[dreg:$0x0] =	wrdreg $0x60  }
0xb0: {  	[dreg:$0x2] =	wrdreg s19  }
0xb1: {  	[dreg:$0x3] =	wrdreg s2  }
0xb2: {  	[dreg:$0x4] =	wrdreg s4  }
0xb3: {  	[dreg:$0x5] =	wrdreg $0x9  }
0xb4: {  	_ =	task.clear_ibuf [dreg:s9], $0x6FFFF;
	_ =	strace $0x90000046  }
0xb5: {  	s29 =	simm.s32 $0x9;
	_ =	strace $0x80000048  }
0xb6: {  	_ =	swait.ge [sflag:s29], $0x1  }
0xb7: {  	[sflag:s29] =	ssyncadd.s32 $0xFFFFFFFF  }
0xb8: {  	_ =	strace $0x90000048  }
0xb9: {  	_ =	sfence  }
0xba: {  	s30 =	sld [smem:$0x0];
	_ =	sdelay $0x2  }
0xbb: {  	s31 =	sshll.u32 s1, $0xD;
	s1 =	sshrl.u32 s1, $0x2  }
0xbc: {  	s3 =	sand.u32 $0x4000, s31;
	s1 =	sadd.s32 s1, s30  }
0xbd: {  	s0 =	sor.u32 s3, s0;
	s1 =	sshll.u32 s1, $0x11  }
0xbe: {  	s0 =	sor.u32 s1, s0  }
0xbf: {  	s0 =	sadd.s32 $0x8F2B, s0  }
0xc0: {  	[sflag:s0] =	ssyncadd.remote.s32 $0x1  }
0xc1: {  	_ =	sfence.sel $0xFFFF  }
0xc2: {  	[dreg:$0x0] =	wrdreg $0xFFFFFFFF;
	(pc) =	sbr.abs _section_cstart, $3  }
0xc3: {  	[dreg:$0x1] =	wrdreg $0xFFFFFFFF  }
0xc4: {  	_ =	task.clear_ibuf [dreg:s9], $0x2FFFF;
	_ =	strace $0x9FFFFFFF  }
0xc5: {  	(tm) =	ssettm $0x7FFFFFFF  }
tec
execute0_lowered:
.L_overlay_start_1:
0x0: {  	(tag) =	ssettag $0x1  }
0x1: {  	s2 =	rddreg [dreg:$0x0]  }
0x2: {  	s0 =	rddreg [dreg:$0x1]  }
0x3: {  	s1 =	srdreg.scid;
	s4 =	rddreg [dreg:$0x2]  }
0x4: {  	s3 =	stileid.u32;
	s20 =	simm.s32 $0x200;
	s30 =	simm.s32 $0xC200  }
0x5: {  	s19 =	simm.s32 $0x16200;
	s21 =	simm.s32 $0x16A00;
	s22 =	simm.s32 $0x17200  }
0x6: {  	s23 =	simm.s32 $0x17A00;
	s24 =	simm.s32 $0x1;
	s25 =	simm.s32 $0x2  }
0x7: {  	s26 =	simm.s32 $0x3;
	s31 =	simm.s32 $0x0;
	s1 =	sand.u32 $0x1, s1  }
0x8: {  	s5 =	sshll.u32 s3, $0xA;
	s3 =	simm.s32 $0x0;
	s7 =	sadd.s32 $0x300, s2  }
0x9: {  	s8 =	sadd.s32 $0x400, s2;
	s9 =	sadd.s32 $0x500, s2;
	s12 =	sadd.s32 $0x800, s2  }
0xa: {  	s13 =	sadd.s32 $0x900, s2;
	s14 =	sadd.s32 $0xA00, s2;
	s15 =	sadd.s32 $0xB00, s2  }
0xb: {  	s6 =	sshll.u32 s1, $0x9;
	s1 =	ssub.s32 $0x2, s1;
	[smem:$0x7FF] =	sst s3  }
0xc: {  	s10 =	sor.u32 s6, s5;
	s28 =	sshrl.u32 s1, $0x1;
	_ =	strace $0x80000047  }
0xd: {  	s5 =	sadd.s32 $0x100, s2;
	s6 =	sadd.s32 $0x200, s2;
	s11 =	sshrl.u32 s10, $0x3  }
0xe: {  	s1 =	ssub.s32 s1, s28;
	s29 =	sor.u32 $0x10, s10;
	s16 =	smul.u32 $0xC00, s11  }
.Ltmp0:
0xf: {  	s10 =	sadd.s32 $0x600, s2;
	s0 =	sadd.s32 s0, s11;
	(pc) =	sbr.rel .LBB2_1-.Ltmp0, $4  }
0x10: {  	s1 =	smax.u32 s1, $0x1;
	[dreg:$0x4] =	wrdreg s0;
	s0 =	sshrl.u32 s29, $0x3  }
0x11: {  	v2 =	vlaneseq.u32;
	s11 =	sadd.s32 $0x700, s2;
	[dreg:$0x5] =	wrdreg s1;
	s0 =	smul.u32 $0xC00, s0  }
0x12: {  	vm0 =	vmmov $0xffff;
	v1 =	vshrl.u32 v2, $0x3;
	s1 =	simm.s32 $0x14A00;
	s17 =	sadd.s32 s16, s4;
	s16 =	simm.s32 $0x15A00  }
0x13: {  	v0 =	vand.u32 $0x7, v2;
	v2 =	vor.u32 $0x8, v2;
	v1 =	vmul.u32 $0x8, v1;
	s18 =	sadd.s32 s0, s4;
	s0 =	simm.s32 $0x14200;
	s4 =	simm.s32 $0x15200  }
.LBB2_5:
0x14: {  	_ =	swait.ge [sflag:s26], $0xC000  }
0x15: {  	[sflag:s26] =	ssyncset.done $0x0  }
0x16: {  	s29 =	simm.s32 $0x4;
	[sflag:s26] =	ssyncadd.s32 $0xFFFF4000  }
0x17: {  	_ =	swait.ge [sflag:s29], $0xC000  }
0x18: {  	s31 =	rddreg [dreg:$0x6]  }
0x19: {  	s28 =	rddreg [dreg:$0x5];
	s31 =	sadd.s32 $0x1, s31  }
0x1a: {  	p0 =	sne.s32 s31, s28  }
.Ltmp1:
0x1b: {  	_ = 	snop;
	(pc) =	sbr.rel @!p0 .LBB2_6-.Ltmp1, $3  }
0x1c: {  	_ =	sdelay $0x1  }
0x1d: {  	[sflag:s29] =	ssyncset.done $0x0  }
0x1e: {  	[sflag:s29] =	ssyncadd.s32 $0xFFFF4000  }
.LBB2_1:
0x1f: {  	s28 =	rddreg [dreg:$0x4]  }
0x20: {  	[tilespmem:s3], [sflag:$0x5] =	stream.linear.gather [hbm4b:s28+s3], $0x200, $0x38;
	[tilespmem:$0x18200] =	vst v63  }
0x21: {  	[dreg:$0x6] =	wrdreg s31;
	s28 =	simm.s32 $0x5  }
0x22: {  	_ =	swait.ge [sflag:s28], $0x200  }
0x23: {  	[sflag:s28] =	ssyncset.done $0x0  }
0x24: {  	[sflag:s28] =	ssyncadd.s32 $0xFFFFFE00  }
0x25: {  	v3 =	vld [tilespmem:$0x0];
	_ =	sdelay $0x4  }
0x26: {  	v4 =	vshrl.u32 v3, $0x3  }
0x27: {  	v4 =	vmul.u32 $0xC0, v4  }
0x28: {  	v3 =	vand.u32 $0x7, v3  }
0x29: {  	v3 =	vor.u32 v3, v4  }
0x2a: {  	v4 =	vperm.xlane v3, v0;
	_ =	sdelay $0x1  }
0x2b: {  	v4 =	vadd.s32 v1, v4;
	_ =	sdelay $0x4  }
0x2c: {  	[tilespmem:s20], [sflag:$0x1] =	stream.indirect_vreg.gather [hbm4b:s2+s3], $0x80, v4, vm0, $0xb8;
	[tilespmem:$0x18200] =	vst v63  }
0x2d: {  	s28 =	simm.s32 $0xA00  }
0x2e: {  	[tilespmem:s28], [sflag:$0x1] =	stream.indirect_vreg.gather [hbm4b:s5+s3], $0x80, v4, vm0, $0xb8;
	[tilespmem:$0x18200] =	vst v63  }
0x2f: {  	s28 =	simm.s32 $0x1200  }
0x30: {  	[tilespmem:s28], [sflag:$0x1] =	stream.indirect_vreg.gather [hbm4b:s6+s3], $0x80, v4, vm0, $0xb8;
	[tilespmem:$0x18200] =	vst v63  }
0x31: {  	s28 =	simm.s32 $0x1A00  }
0x32: {  	[tilespmem:s28], [sflag:$0x1] =	stream.indirect_vreg.gather [hbm4b:s7+s3], $0x80, v4, vm0, $0xb8;
	[tilespmem:$0x18200] =	vst v63  }
0x33: {  	s28 =	simm.s32 $0x2200  }
0x34: {  	[tilespmem:s28], [sflag:$0x1] =	stream.indirect_vreg.gather [hbm4b:s8+s3], $0x80, v4, vm0, $0xb8;
	[tilespmem:$0x18200] =	vst v63  }
0x35: {  	s28 =	simm.s32 $0x2A00  }
0x36: {  	[tilespmem:s28], [sflag:$0x1] =	stream.indirect_vreg.gather [hbm4b:s9+s3], $0x80, v4, vm0, $0xb8;
	[tilespmem:$0x18200] =	vst v63  }
0x37: {  	s28 =	simm.s32 $0x3200  }
0x38: {  	[tilespmem:s28], [sflag:$0x1] =	stream.indirect_vreg.gather [hbm4b:s10+s3], $0x80, v4, vm0, $0xb8;
	[tilespmem:$0x18200] =	vst v63  }
0x39: {  	s28 =	simm.s32 $0x3A00  }
0x3a: {  	[tilespmem:s28], [sflag:$0x1] =	stream.indirect_vreg.gather [hbm4b:s11+s3], $0x80, v4, vm0, $0xb8;
	[tilespmem:$0x18200] =	vst v63  }
0x3b: {  	s28 =	simm.s32 $0x4200  }
0x3c: {  	[tilespmem:s28], [sflag:$0x1] =	stream.indirect_vreg.gather [hbm4b:s12+s3], $0x80, v4, vm0, $0xb8;
	[tilespmem:$0x18200] =	vst v63  }
0x3d: {  	v3 =	vperm.xlane v3, v2;
	s28 =	simm.s32 $0x4A00  }
0x3e: {  	[tilespmem:s28], [sflag:$0x1] =	stream.indirect_vreg.gather [hbm4b:s13+s3], $0x80, v4, vm0, $0xb8;
	[tilespmem:$0x18200] =	vst v63  }
0x3f: {  	v3 =	vadd.s32 v1, v3;
	s28 =	simm.s32 $0x5200  }
0x40: {  	[tilespmem:s28], [sflag:$0x1] =	stream.indirect_vreg.gather [hbm4b:s14+s3], $0x80, v4, vm0, $0xb8;
	[tilespmem:$0x18200] =	vst v63  }
0x41: {  	s28 =	simm.s32 $0x5A00  }
0x42: {  	[tilespmem:s28], [sflag:$0x1] =	stream.indirect_vreg.gather [hbm4b:s15+s3], $0x80, v4, vm0, $0xb8;
	[tilespmem:$0x18200] =	vst v63  }
0x43: {  	s28 =	simm.s32 $0x6200  }
0x44: {  	[tilespmem:s28], [sflag:$0x1] =	stream.indirect_vreg.gather [hbm4b:s2+s3], $0x80, v3, vm0, $0xb8;
	[tilespmem:$0x18200] =	vst v63  }
0x45: {  	s28 =	simm.s32 $0x6A00  }
0x46: {  	[tilespmem:s28], [sflag:$0x1] =	stream.indirect_vreg.gather [hbm4b:s5+s3], $0x80, v3, vm0, $0xb8;
	[tilespmem:$0x18200] =	vst v63  }
0x47: {  	s28 =	simm.s32 $0x7200  }
0x48: {  	[tilespmem:s28], [sflag:$0x1] =	stream.indirect_vreg.gather [hbm4b:s6+s3], $0x80, v3, vm0, $0xb8;
	[tilespmem:$0x18200] =	vst v63  }
0x49: {  	s28 =	simm.s32 $0x7A00  }
0x4a: {  	[tilespmem:s28], [sflag:$0x1] =	stream.indirect_vreg.gather [hbm4b:s7+s3], $0x80, v3, vm0, $0xb8;
	[tilespmem:$0x18200] =	vst v63  }
0x4b: {  	s28 =	simm.s32 $0x8200  }
0x4c: {  	[tilespmem:s28], [sflag:$0x1] =	stream.indirect_vreg.gather [hbm4b:s8+s3], $0x80, v3, vm0, $0xb8;
	[tilespmem:$0x18200] =	vst v63  }
0x4d: {  	s28 =	simm.s32 $0x8A00  }
0x4e: {  	[tilespmem:s28], [sflag:$0x1] =	stream.indirect_vreg.gather [hbm4b:s9+s3], $0x80, v3, vm0, $0xb8;
	[tilespmem:$0x18200] =	vst v63  }
0x4f: {  	s28 =	simm.s32 $0x9200  }
0x50: {  	[tilespmem:s28], [sflag:$0x1] =	stream.indirect_vreg.gather [hbm4b:s10+s3], $0x80, v3, vm0, $0xb8;
	[tilespmem:$0x18200] =	vst v63  }
0x51: {  	s28 =	simm.s32 $0x9A00  }
0x52: {  	[tilespmem:s28], [sflag:$0x1] =	stream.indirect_vreg.gather [hbm4b:s11+s3], $0x80, v3, vm0, $0xb8;
	[tilespmem:$0x18200] =	vst v63  }
0x53: {  	s28 =	simm.s32 $0xA200  }
0x54: {  	[tilespmem:s28], [sflag:$0x1] =	stream.indirect_vreg.gather [hbm4b:s12+s3], $0x80, v3, vm0, $0xb8;
	[tilespmem:$0x18200] =	vst v63  }
0x55: {  	s28 =	simm.s32 $0xAA00  }
0x56: {  	[tilespmem:s28], [sflag:$0x1] =	stream.indirect_vreg.gather [hbm4b:s13+s3], $0x80, v3, vm0, $0xb8;
	[tilespmem:$0x18200] =	vst v63  }
.Ltmp2:
0x57: {  	s28 =	simm.s32 $0xB200;
	(pc) =	sbr.rel .LBB2_2-.Ltmp2, $4  }
0x58: {  	[tilespmem:s28], [sflag:$0x1] =	stream.indirect_vreg.gather [hbm4b:s14+s3], $0x80, v3, vm0, $0xb8;
	[tilespmem:$0x18200] =	vst v63  }
0x59: {  	s28 =	simm.s32 $0xBA00  }
0x5a: {  	[tilespmem:s28], [sflag:$0x1] =	stream.indirect_vreg.gather [hbm4b:s15+s3], $0x80, v3, vm0, $0xb8;
	[tilespmem:$0x18200] =	vst v63  }
0x5b: {  	s29 =	simm.s32 $0x0;
	s28 =	simm.s32 $0x20  }
.LBB2_4:
0x5c: {  	s31 =	sadd.s32 s29, s18;
	s29 =	sadd.s32 $0x3000, s29  }
0x5d: {  	p0 =	sne.s32 s29, $0x30000  }
.Ltmp3:
0x5e: {  	_ = 	snop;
	(pc) =	sbr.rel @!p0 .LBB2_5-.Ltmp3, $4  }
0x5f: {  	_ =	swait.ge [sflag:s25], $0xC000  }
0x60: {  	[sflag:s25] =	ssyncset.done $0x0  }
0x61: {  	s28 =	sadd.s32 $0x20, s28;
	[sflag:s25] =	ssyncadd.s32 $0xFFFF4000  }
0x62: {  	[hbm4b:s31+s3] =	stream.linear.scatter [tilespmem:s30], [sflag:$0x4], $0xC000, $0x38;
	[tilespmem:$0x18200] =	vst v63  }
.LBB2_2:
0x63: {  	p0 =	seq.s32 s29, $0x0  }
0x64: {  	s31 =	simm.s32 @!p0 $0x4  }
0x65: {  	_ =	swait.ge @!p0 [sflag:s31], $0xC000  }
0x66: {  	[sflag:s31] =	ssyncset.done @!p0 $0x0  }
0x67: {  	[sflag:s31] =	ssyncadd.s32 @!p0 $0xFFFF4000  }
0x68: {  	v3 =	vld [tilespmem:s28+$0xFFFFFFF0];
	_ =	sdelay $0x4  }
0x69: {  	v4 =	vshrl.u32 v3, $0x3  }
0x6a: {  	v4 =	vmul.u32 $0xC0, v4  }
0x6b: {  	v3 =	vand.u32 $0x7, v3  }
0x6c: {  	v3 =	vor.u32 v3, v4  }
0x6d: {  	v4 =	vperm.xlane v3, v0;
	_ =	sdelay $0x1  }
0x6e: {  	v4 =	vadd.s32 v1, v4;
	_ =	sdelay $0x4  }
0x6f: {  	[tilespmem:s30], [sflag:$0x2] =	stream.indirect_vreg.gather [hbm4b:s2+s3], $0x80, v4, vm0, $0xb8;
	[tilespmem:$0x18200] =	vst v63  }
0x70: {  	s31 =	simm.s32 $0xCA00  }
0x71: {  	[tilespmem:s31], [sflag:$0x2] =	stream.indirect_vreg.gather [hbm4b:s5+s3], $0x80, v4, vm0, $0xb8;
	[tilespmem:$0x18200] =	vst v63  }
0x72: {  	s31 =	simm.s32 $0xD200  }
0x73: {  	[tilespmem:s31], [sflag:$0x2] =	stream.indirect_vreg.gather [hbm4b:s6+s3], $0x80, v4, vm0, $0xb8;
	[tilespmem:$0x18200] =	vst v63  }
0x74: {  	s31 =	simm.s32 $0xDA00  }
0x75: {  	[tilespmem:s31], [sflag:$0x2] =	stream.indirect_vreg.gather [hbm4b:s7+s3], $0x80, v4, vm0, $0xb8;
	[tilespmem:$0x18200] =	vst v63  }
0x76: {  	s31 =	simm.s32 $0xE200  }
0x77: {  	[tilespmem:s31], [sflag:$0x2] =	stream.indirect_vreg.gather [hbm4b:s8+s3], $0x80, v4, vm0, $0xb8;
	[tilespmem:$0x18200] =	vst v63  }
0x78: {  	s31 =	simm.s32 $0xEA00  }
0x79: {  	[tilespmem:s31], [sflag:$0x2] =	stream.indirect_vreg.gather [hbm4b:s9+s3], $0x80, v4, vm0, $0xb8;
	[tilespmem:$0x18200] =	vst v63  }
0x7a: {  	s31 =	simm.s32 $0xF200  }
0x7b: {  	[tilespmem:s31], [sflag:$0x2] =	stream.indirect_vreg.gather [hbm4b:s10+s3], $0x80, v4, vm0, $0xb8;
	[tilespmem:$0x18200] =	vst v63  }
0x7c: {  	s31 =	simm.s32 $0xFA00  }
0x7d: {  	[tilespmem:s31], [sflag:$0x2] =	stream.indirect_vreg.gather [hbm4b:s11+s3], $0x80, v4, vm0, $0xb8;
	[tilespmem:$0x18200] =	vst v63  }
0x7e: {  	s31 =	simm.s32 $0x10200  }
0x7f: {  	[tilespmem:s31], [sflag:$0x2] =	stream.indirect_vreg.gather [hbm4b:s12+s3], $0x80, v4, vm0, $0xb8;
	[tilespmem:$0x18200] =	vst v63  }
0x80: {  	v3 =	vperm.xlane v3, v2;
	s31 =	simm.s32 $0x10A00  }
0x81: {  	[tilespmem:s31], [sflag:$0x2] =	stream.indirect_vreg.gather [hbm4b:s13+s3], $0x80, v4, vm0, $0xb8;
	[tilespmem:$0x18200] =	vst v63  }
0x82: {  	v3 =	vadd.s32 v1, v3;
	s31 =	simm.s32 $0x11200  }
0x83: {  	[tilespmem:s31], [sflag:$0x2] =	stream.indirect_vreg.gather [hbm4b:s14+s3], $0x80, v4, vm0, $0xb8;
	[tilespmem:$0x18200] =	vst v63  }
0x84: {  	s31 =	simm.s32 $0x11A00  }
0x85: {  	[tilespmem:s31], [sflag:$0x2] =	stream.indirect_vreg.gather [hbm4b:s15+s3], $0x80, v4, vm0, $0xb8;
	[tilespmem:$0x18200] =	vst v63  }
0x86: {  	s31 =	simm.s32 $0x12200  }
0x87: {  	[tilespmem:s31], [sflag:$0x2] =	stream.indirect_vreg.gather [hbm4b:s2+s3], $0x80, v3, vm0, $0xb8;
	[tilespmem:$0x18200] =	vst v63  }
0x88: {  	s31 =	simm.s32 $0x12A00  }
0x89: {  	[tilespmem:s31], [sflag:$0x2] =	stream.indirect_vreg.gather [hbm4b:s5+s3], $0x80, v3, vm0, $0xb8;
	[tilespmem:$0x18200] =	vst v63  }
0x8a: {  	s31 =	simm.s32 $0x13200  }
0x8b: {  	[tilespmem:s31], [sflag:$0x2] =	stream.indirect_vreg.gather [hbm4b:s6+s3], $0x80, v3, vm0, $0xb8;
	[tilespmem:$0x18200] =	vst v63  }
0x8c: {  	s31 =	simm.s32 $0x13A00  }
0x8d: {  	[tilespmem:s31], [sflag:$0x2] =	stream.indirect_vreg.gather [hbm4b:s7+s3], $0x80, v3, vm0, $0xb8;
	[tilespmem:$0x18200] =	vst v63  }
0x8e: {  	_ = 	snop  }
0x8f: {  	[tilespmem:s0], [sflag:$0x2] =	stream.indirect_vreg.gather [hbm4b:s8+s3], $0x80, v3, vm0, $0xb8;
	[tilespmem:$0x18200] =	vst v63  }
0x90: {  	_ = 	snop  }
0x91: {  	[tilespmem:s1], [sflag:$0x2] =	stream.indirect_vreg.gather [hbm4b:s9+s3], $0x80, v3, vm0, $0xb8;
	[tilespmem:$0x18200] =	vst v63  }
0x92: {  	_ = 	snop  }
0x93: {  	[tilespmem:s4], [sflag:$0x2] =	stream.indirect_vreg.gather [hbm4b:s10+s3], $0x80, v3, vm0, $0xb8;
	[tilespmem:$0x18200] =	vst v63  }
0x94: {  	_ = 	snop  }
0x95: {  	[tilespmem:s16], [sflag:$0x2] =	stream.indirect_vreg.gather [hbm4b:s11+s3], $0x80, v3, vm0, $0xb8;
	[tilespmem:$0x18200] =	vst v63  }
0x96: {  	_ = 	snop  }
0x97: {  	[tilespmem:s19], [sflag:$0x2] =	stream.indirect_vreg.gather [hbm4b:s12+s3], $0x80, v3, vm0, $0xb8;
	[tilespmem:$0x18200] =	vst v63  }
0x98: {  	_ = 	snop  }
0x99: {  	[tilespmem:s21], [sflag:$0x2] =	stream.indirect_vreg.gather [hbm4b:s13+s3], $0x80, v3, vm0, $0xb8;
	[tilespmem:$0x18200] =	vst v63  }
0x9a: {  	_ = 	snop  }
0x9b: {  	[tilespmem:s22], [sflag:$0x2] =	stream.indirect_vreg.gather [hbm4b:s14+s3], $0x80, v3, vm0, $0xb8;
	[tilespmem:$0x18200] =	vst v63  }
0x9c: {  	p0 =	seq.s32 s29, $0x2D000  }
0x9d: {  	[tilespmem:s23], [sflag:$0x2] =	stream.indirect_vreg.gather [hbm4b:s15+s3], $0x80, v3, vm0, $0xb8;
	[tilespmem:$0x18200] =	vst v63  }
.Ltmp4:
0x9e: {  	_ = 	snop;
	(pc) =	sbr.rel @p0 .LBB2_4-.Ltmp4, $4  }
0x9f: {  	_ =	swait.ge [sflag:s24], $0xC000  }
0xa0: {  	[sflag:s24] =	ssyncset.done $0x0  }
0xa1: {  	s31 =	sadd.s32 s29, s17;
	[sflag:s24] =	ssyncadd.s32 $0xFFFF4000  }
0xa2: {  	[hbm4b:s31+s3] =	stream.linear.scatter [tilespmem:s20], [sflag:$0x3], $0xC000, $0x38;
	[tilespmem:$0x18200] =	vst v63  }
0xa3: {  	_ =	swait.ge [sflag:s26], $0xC000  }
0xa4: {  	[sflag:s26] =	ssyncset.done $0x0  }
0xa5: {  	[sflag:s26] =	ssyncadd.s32 $0xFFFF4000  }
0xa6: {  	v3 =	vld [tilespmem:s28+$0x0];
	_ =	sdelay $0x4  }
0xa7: {  	v4 =	vshrl.u32 v3, $0x3  }
0xa8: {  	v4 =	vmul.u32 $0xC0, v4  }
0xa9: {  	v3 =	vand.u32 $0x7, v3  }
0xaa: {  	v3 =	vor.u32 v3, v4  }
0xab: {  	v4 =	vperm.xlane v3, v0;
	_ =	sdelay $0x1  }
0xac: {  	v4 =	vadd.s32 v1, v4;
	_ =	sdelay $0x4  }
0xad: {  	[tilespmem:s20], [sflag:$0x1] =	stream.indirect_vreg.gather [hbm4b:s2+s3], $0x80, v4, vm0, $0xb8;
	[tilespmem:$0x18200] =	vst v63  }
0xae: {  	s31 =	simm.s32 $0xA00  }
0xaf: {  	[tilespmem:s31], [sflag:$0x1] =	stream.indirect_vreg.gather [hbm4b:s5+s3], $0x80, v4, vm0, $0xb8;
	[tilespmem:$0x18200] =	vst v63  }
0xb0: {  	s31 =	simm.s32 $0x1200  }
0xb1: {  	[tilespmem:s31], [sflag:$0x1] =	stream.indirect_vreg.gather [hbm4b:s6+s3], $0x80, v4, vm0, $0xb8;
	[tilespmem:$0x18200] =	vst v63  }
0xb2: {  	s31 =	simm.s32 $0x1A00  }
0xb3: {  	[tilespmem:s31], [sflag:$0x1] =	stream.indirect_vreg.gather [hbm4b:s7+s3], $0x80, v4, vm0, $0xb8;
	[tilespmem:$0x18200] =	vst v63  }
0xb4: {  	s31 =	simm.s32 $0x2200  }
0xb5: {  	[tilespmem:s31], [sflag:$0x1] =	stream.indirect_vreg.gather [hbm4b:s8+s3], $0x80, v4, vm0, $0xb8;
	[tilespmem:$0x18200] =	vst v63  }
0xb6: {  	s31 =	simm.s32 $0x2A00  }
0xb7: {  	[tilespmem:s31], [sflag:$0x1] =	stream.indirect_vreg.gather [hbm4b:s9+s3], $0x80, v4, vm0, $0xb8;
	[tilespmem:$0x18200] =	vst v63  }
0xb8: {  	s31 =	simm.s32 $0x3200  }
0xb9: {  	[tilespmem:s31], [sflag:$0x1] =	stream.indirect_vreg.gather [hbm4b:s10+s3], $0x80, v4, vm0, $0xb8;
	[tilespmem:$0x18200] =	vst v63  }
0xba: {  	s31 =	simm.s32 $0x3A00  }
0xbb: {  	[tilespmem:s31], [sflag:$0x1] =	stream.indirect_vreg.gather [hbm4b:s11+s3], $0x80, v4, vm0, $0xb8;
	[tilespmem:$0x18200] =	vst v63  }
0xbc: {  	s31 =	simm.s32 $0x4200  }
0xbd: {  	[tilespmem:s31], [sflag:$0x1] =	stream.indirect_vreg.gather [hbm4b:s12+s3], $0x80, v4, vm0, $0xb8;
	[tilespmem:$0x18200] =	vst v63  }
0xbe: {  	v3 =	vperm.xlane v3, v2;
	s31 =	simm.s32 $0x4A00  }
0xbf: {  	[tilespmem:s31], [sflag:$0x1] =	stream.indirect_vreg.gather [hbm4b:s13+s3], $0x80, v4, vm0, $0xb8;
	[tilespmem:$0x18200] =	vst v63  }
0xc0: {  	v3 =	vadd.s32 v1, v3;
	s31 =	simm.s32 $0x5200  }
0xc1: {  	[tilespmem:s31], [sflag:$0x1] =	stream.indirect_vreg.gather [hbm4b:s14+s3], $0x80, v4, vm0, $0xb8;
	[tilespmem:$0x18200] =	vst v63  }
0xc2: {  	s31 =	simm.s32 $0x5A00  }
0xc3: {  	[tilespmem:s31], [sflag:$0x1] =	stream.indirect_vreg.gather [hbm4b:s15+s3], $0x80, v4, vm0, $0xb8;
	[tilespmem:$0x18200] =	vst v63  }
0xc4: {  	s31 =	simm.s32 $0x6200  }
0xc5: {  	[tilespmem:s31], [sflag:$0x1] =	stream.indirect_vreg.gather [hbm4b:s2+s3], $0x80, v3, vm0, $0xb8;
	[tilespmem:$0x18200] =	vst v63  }
0xc6: {  	s31 =	simm.s32 $0x6A00  }
0xc7: {  	[tilespmem:s31], [sflag:$0x1] =	stream.indirect_vreg.gather [hbm4b:s5+s3], $0x80, v3, vm0, $0xb8;
	[tilespmem:$0x18200] =	vst v63  }
0xc8: {  	s31 =	simm.s32 $0x7200  }
0xc9: {  	[tilespmem:s31], [sflag:$0x1] =	stream.indirect_vreg.gather [hbm4b:s6+s3], $0x80, v3, vm0, $0xb8;
	[tilespmem:$0x18200] =	vst v63  }
0xca: {  	s31 =	simm.s32 $0x7A00  }
0xcb: {  	[tilespmem:s31], [sflag:$0x1] =	stream.indirect_vreg.gather [hbm4b:s7+s3], $0x80, v3, vm0, $0xb8;
	[tilespmem:$0x18200] =	vst v63  }
0xcc: {  	s31 =	simm.s32 $0x8200  }
0xcd: {  	[tilespmem:s31], [sflag:$0x1] =	stream.indirect_vreg.gather [hbm4b:s8+s3], $0x80, v3, vm0, $0xb8;
	[tilespmem:$0x18200] =	vst v63  }
0xce: {  	s31 =	simm.s32 $0x8A00  }
0xcf: {  	[tilespmem:s31], [sflag:$0x1] =	stream.indirect_vreg.gather [hbm4b:s9+s3], $0x80, v3, vm0, $0xb8;
	[tilespmem:$0x18200] =	vst v63  }
0xd0: {  	s31 =	simm.s32 $0x9200  }
0xd1: {  	[tilespmem:s31], [sflag:$0x1] =	stream.indirect_vreg.gather [hbm4b:s10+s3], $0x80, v3, vm0, $0xb8;
	[tilespmem:$0x18200] =	vst v63  }
0xd2: {  	s31 =	simm.s32 $0x9A00  }
0xd3: {  	[tilespmem:s31], [sflag:$0x1] =	stream.indirect_vreg.gather [hbm4b:s11+s3], $0x80, v3, vm0, $0xb8;
	[tilespmem:$0x18200] =	vst v63  }
0xd4: {  	s31 =	simm.s32 $0xA200  }
0xd5: {  	[tilespmem:s31], [sflag:$0x1] =	stream.indirect_vreg.gather [hbm4b:s12+s3], $0x80, v3, vm0, $0xb8;
	[tilespmem:$0x18200] =	vst v63  }
0xd6: {  	s31 =	simm.s32 $0xAA00  }
0xd7: {  	[tilespmem:s31], [sflag:$0x1] =	stream.indirect_vreg.gather [hbm4b:s13+s3], $0x80, v3, vm0, $0xb8;
	[tilespmem:$0x18200] =	vst v63  }
.Ltmp5:
0xd8: {  	_ = 	snop;
	(pc) =	sbr.rel .LBB2_4-.Ltmp5, $4  }
0xd9: {  	s31 =	simm.s32 $0xB200  }
0xda: {  	[tilespmem:s31], [sflag:$0x1] =	stream.indirect_vreg.gather [hbm4b:s14+s3], $0x80, v3, vm0, $0xb8;
	[tilespmem:$0x18200] =	vst v63  }
0xdb: {  	s31 =	simm.s32 $0xBA00  }
0xdc: {  	[tilespmem:s31], [sflag:$0x1] =	stream.indirect_vreg.gather [hbm4b:s15+s3], $0x80, v3, vm0, $0xb8;
	[tilespmem:$0x18200] =	vst v63  }
.LBB2_6:
0xdd: {  	_ =	sfence.sel $0x180000  }
0xde: {  	[bflag:$0x0] =	sbarrier.arrive $0xFFFF  }
0xdf: {  	_ =	strace $0x90000047  }
0xe0: {  	s0 =	stileid.u32;
	[bflag:$0x2] =	sbarrier.arrive $0xFFFF  }
0xe1: {  	p0 =	sne.s32 s0, $0x0;
	s0 =	rddreg [dreg:$0x3]  }
0xe2: {  	s0 =	sadd.s32 @!p0 $0x100000, s0  }
0xe3: {  	[sflag:s0] =	ssyncadd.tile.s32 @!p0 $0x1;
	_ =	shalt  }
.Lfunc_end2:
_tile_overlayer_lowered:
.L_overlay_start_2:
0xe4: {  	(tag) =	ssettag $0x2  }
0xe5: {  	s0 =	rddreg [dreg:$0x0];
	s2 =	stileid.u32  }
0xe6: {  	s1 =	rddreg [dreg:$0x1];
	p0 =	sne.s32 s2, $0x0  }
0xe7: {  	s3 =	rddreg [dreg:$0x2];
	[bflag:$0x3] =	sbarrier.arrive $0xFFFF;
	s2 =	simm.s32 @!p0 $0x1C05  }
0xe8: {  	[timem:s3], [sflag:s2] =	dma.local @!p0 [hbm:s0], s1  }
0xe9: {  	s0 =	simm.s32 @!p0 $0x5  }
0xea: {  	_ =	swait.ge @!p0 [sflag:s0], s1  }
0xeb: {  	s1 =	ssub.s32 @!p0 $0x0, s1;
	[sflag:s0] =	ssyncset.done @!p0 $0x0  }
0xec: {  	[sflag:s0] =	ssyncadd.s32 @!p0 s1  }
0xed: {  	[bflag:$0x3] =	sbarrier.arrive $0xFFFF  }
0xee: {  	_ =	shalt  }

</sc_bundles>
